<compile_context>
chip_gen: v7x
topology: tpu7x:2x2x1
jax: 0.10.2.dev20260603
libtpu: 0.0.44.dev20260713+nightly
codegen_flags: <defaults>
</compile_context>

<pallas_src>
import functools

import jax
import jax.numpy as jnp
from jax import lax
from jax.experimental import pallas as pl
from jax.experimental.pallas import tpu as pltpu
from jax.experimental.pallas import tpu_sc as plsc

VOCAB = 1000
EMBED = 4
BATCH = 1024
HIST = 50
NTOK = BATCH * HIST
EPAD = 16

NC, NS = 2, 16
NW = NC * NS
T_PER_W = NTOK // NW
CHUNK = 40
N_CHUNKS = T_PER_W // CHUNK

BBLK = 1024


def _emb_body(table_hbm, xt_hbm, emb_hbm, idx_v, rows_v, sg, ss):
    wid = lax.axis_index("s") * NC + lax.axis_index("c")
    base = wid * T_PER_W
    pltpu.sync_copy(xt_hbm.at[pl.ds(base, T_PER_W)], idx_v)

    def chunk(g, _):
        idx_c = idx_v.at[pl.ds(g * CHUNK, CHUNK)]
        dst = rows_v.at[pl.ds(g * CHUNK, CHUNK)]
        pltpu.async_copy(table_hbm.at[idx_c], dst, sg).wait()
        return 0

    lax.fori_loop(0, N_CHUNKS, chunk, 0)
    pltpu.make_async_copy(rows_v, emb_hbm.at[pl.ds(base, T_PER_W)], ss).start()
    pltpu.make_async_copy(rows_v, emb_hbm.at[pl.ds(base, T_PER_W)], ss).wait()


_emb_lookup = functools.partial(
    pl.kernel,
    mesh=plsc.VectorSubcoreMesh(core_axis_name="c", subcore_axis_name="s"),
    out_type=jax.ShapeDtypeStruct((NTOK, EPAD), jnp.float32),
    compiler_params=pltpu.CompilerParams(use_tc_tiling_on_sc=False),
    scratch_types=[
        pltpu.VMEM((T_PER_W,), jnp.int32),
        pltpu.VMEM((T_PER_W, EPAD), jnp.float32),
        pltpu.SemaphoreType.DMA,
        pltpu.SemaphoreType.DMA,
    ],
)(_emb_body)


def _linear_body(emb_ref, w_ref, b_ref, out_ref):
    e = emb_ref[...]
    acc = jnp.broadcast_to(b_ref[...], (VOCAB, BBLK))
    for d in range(EMBED):
        acc = acc + w_ref[:, d:d + 1] * e[d][None, :]
    out_ref[0] = acc


def _linear(emb3, W, b):
    grid = (HIST, BATCH // BBLK)
    return pl.pallas_call(
        _linear_body,
        grid=grid,
        in_specs=[
            pl.BlockSpec((EPAD, BBLK), lambda l, bb: (0, l * (BATCH // BBLK) + bb)),
            pl.BlockSpec((VOCAB, EMBED), lambda l, bb: (0, 0)),
            pl.BlockSpec((VOCAB, 1), lambda l, bb: (0, 0)),
        ],
        out_specs=pl.BlockSpec((1, VOCAB, BBLK), lambda l, bb: (l, 0, bb)),
        out_shape=jax.ShapeDtypeStruct((HIST, VOCAB, BATCH), jnp.float32),
    )(emb3, W, b.reshape(VOCAB, 1))


def kernel(x, table, W, b):
    xt = jnp.transpose(x).reshape(NTOK).astype(jnp.int32)
    table_pad = jnp.pad(table, ((0, 0), (0, EPAD - EMBED)))
    emb = _emb_lookup(table_pad, xt)
    emb3 = jnp.transpose(emb)
    out_lvb = _linear(emb3, W, b)
    return jnp.transpose(out_lvb, (2, 0, 1))

# --- scband reference (transcript-rebuilt; emitter-appended) ---
"""Pipeline reference for scband-dummy-model-56727928046447 (READ-ONLY COPY).

The authoritative reference and input builder live on the scoring server;
editing this copy changes nothing except your own understanding.
"""

import jax, jax.numpy as jnp
import numpy as np

VOCAB = 1000
EMBED_DIM = 4
BATCH = 1024
HIST = 50

def setup_inputs(seed: int = 0) -> dict:
    key = jax.random.key(seed)
    k1, k2, k3, k4 = jax.random.split(key, 4)
    x = jax.random.randint(k1, (BATCH, HIST), 0, VOCAB)
    # nn.Embedding weight: N(0,1)
    table = jax.random.normal(k2, (VOCAB, EMBED_DIM), dtype=jnp.float32)
    # nn.Linear(4, vocab): weight [vocab, 4], bias [vocab], uniform(-1/sqrt(4), 1/sqrt(4))
    bound = 1.0 / np.sqrt(EMBED_DIM)
    W = jax.random.uniform(k3, (VOCAB, EMBED_DIM), minval=-bound, maxval=bound, dtype=jnp.float32)
    b = jax.random.uniform(k4, (VOCAB,), minval=-bound, maxval=bound, dtype=jnp.float32)
    return {"x": x, "table": table, "W": W, "b": b}

def reference(x, table, W, b):
    # emb = self.embed(x)
    emb = jnp.take(table, x, axis=0)  # [B, L, 4]
    # return self.linear(emb)
    out = jnp.einsum('bld,vd->blv', emb, W) + b  # [B, L, vocab]
    return out

if __name__ == "__main__":
    import jax
    _d = setup_inputs()
    print(jax.jit(kernel)(*tuple(_d.values())))

</pallas_src>

<mosaic_0001>
#map = affine_map<(d0, d1) -> (0, 0)>
#map1 = affine_map<(d0, d1) -> (0)>
module attributes {stable_mosaic.version = 14 : i64} {
  func.func @_emb_body(%arg0: i32, %arg1: i32, %arg2: memref<1000x16xf32, #tpu.memory_space<hbm>>, %arg3: memref<51200xi32, #tpu.memory_space<hbm>>, %arg4: memref<51200x16xf32, #tpu.memory_space<hbm>>, %arg5: memref<1600xi32, #tpu.memory_space<vmem>>, %arg6: memref<1600x16xf32, #tpu.memory_space<vmem>>, %arg7: memref<!tpu.dma_semaphore, #tpu.memory_space<semaphore_mem>>, %arg8: memref<!tpu.dma_semaphore, #tpu.memory_space<semaphore_mem>>) attributes {dimension_semantics = [#tpu.dimension_semantics<core_parallel>, #tpu.dimension_semantics<subcore_parallel>], iteration_bounds = array<i64: 2, 16>, scalar_prefetch = 0 : i64, scratch_operands = 4 : i64, tpu.core_type = #tpu.core_type<sc_vector_subcore>, window_params = [{transform_indices = #map}, {transform_indices = #map1}, {transform_indices = #map}]} {
    %mul3A = arith.constant 2 : i32
    %mul3A_0 = arith.muli %arg1, %mul3A : i32
    %add3A = arith.addi %mul3A_0, %arg0 : i32
    %mul3A_1 = arith.constant 1600 : i32
    %mul3A_2 = arith.muli %add3A, %mul3A_1 : i32
    "tpu.region"() ({
      %run_scoped3A = tpu.sem_alloc : memref<!tpu.dma_semaphore, #tpu.memory_space<semaphore_mem>>
      %dma_start3A_15 = tpu.memref_slice %arg3[%mul3A_2] : memref<51200xi32, #tpu.memory_space<hbm>> -> memref<1600xi32, #tpu.memory_space<hbm>>
      %dma_start3A_16 = tpu.memref_slice %arg3[%mul3A_2] : memref<51200xi32, #tpu.memory_space<hbm>> -> memref<1600xi32, #tpu.memory_space<hbm>>
      tpu.enqueue_dma source(%dma_start3A_16 : memref<1600xi32, #tpu.memory_space<hbm>>) target(%arg5 : memref<1600xi32, #tpu.memory_space<vmem>>) target_semaphore(%run_scoped3A : memref<!tpu.dma_semaphore, #tpu.memory_space<semaphore_mem>>)
      %dma_wait3A_17 = tpu.memref_slice %arg3[%mul3A_2] : memref<51200xi32, #tpu.memory_space<hbm>> -> memref<1600xi32, #tpu.memory_space<hbm>>
      %dma_wait3A_18 = tpu.memref_slice %arg3[%mul3A_2] : memref<51200xi32, #tpu.memory_space<hbm>> -> memref<1600xi32, #tpu.memory_space<hbm>>
      tpu.wait_dma2 semaphore(%run_scoped3A : memref<!tpu.dma_semaphore, #tpu.memory_space<semaphore_mem>>) src(%dma_wait3A_18 : memref<1600xi32, #tpu.memory_space<hbm>>) dst(%arg5 : memref<1600xi32, #tpu.memory_space<vmem>>)
      tpu.yield
    }) : () -> ()
    %scan3A = arith.constant 0 : i32
    %scan3A_3 = arith.constant 0 : i32
    %scan3A_4 = arith.constant 40 : i32
    %scan3A_5 = arith.addi %scan3A_3, %scan3A_4 : i32
    %scan3A_6 = arith.constant 1 : i32
    %scan3A_7 = scf.for %scan3A_15 = %scan3A_3 to %scan3A_5 step %scan3A_6 iter_args(%scan3A_16 = %scan3A) -> (i32)  : i32 {
      %mul3A_17 = arith.constant 40 : i32
      %mul3A_18 = arith.muli %scan3A_15, %mul3A_17 : i32
      %mul3A_19 = arith.constant 40 : i32
      %mul3A_20 = arith.muli %scan3A_15, %mul3A_19 : i32
      %dma_start3A_21 = arith.constant 0 : i32
      %dma_start3A_22 = tpu.memref_slice %arg6[%mul3A_20, %dma_start3A_21] : memref<1600x16xf32, #tpu.memory_space<vmem>> -> memref<40x16xf32, #tpu.memory_space<vmem>>
      %dma_start3A_23 = tpu.memref_slice %arg5[%mul3A_18] : memref<1600xi32, #tpu.memory_space<vmem>> -> memref<40xi32, #tpu.memory_space<vmem>>
      %dma_start3A_24 = arith.constant 0 : i32
      %dma_start3A_25 = arith.constant 0 : i32
      %dma_start3A_26 = tpu.memref_slice %arg2[%dma_start3A_24, %dma_start3A_25] : memref<1000x16xf32, #tpu.memory_space<hbm>> -> memref<1000x16xf32, #tpu.memory_space<hbm>>
      tpu.enqueue_indirect_dma source(%dma_start3A_26 : memref<1000x16xf32, #tpu.memory_space<hbm>>) target(%dma_start3A_22 : memref<40x16xf32, #tpu.memory_space<vmem>>) offsets(%dma_start3A_23 : memref<40xi32, #tpu.memory_space<vmem>>) semaphore(%arg7 : memref<!tpu.dma_semaphore, #tpu.memory_space<semaphore_mem>>)
      %dma_wait3A_27 = arith.constant 0 : i32
      %dma_wait3A_28 = tpu.memref_slice %arg6[%mul3A_20, %dma_wait3A_27] : memref<1600x16xf32, #tpu.memory_space<vmem>> -> memref<40x16xf32, #tpu.memory_space<vmem>>
      %dma_wait3A_29 = tpu.memref_slice %arg5[%mul3A_18] : memref<1600xi32, #tpu.memory_space<vmem>> -> memref<40xi32, #tpu.memory_space<vmem>>
      %dma_wait3A_30 = arith.constant 0 : i32
      %dma_wait3A_31 = arith.constant 0 : i32
      %dma_wait3A_32 = tpu.memref_slice %arg2[%dma_wait3A_30, %dma_wait3A_31] : memref<1000x16xf32, #tpu.memory_space<hbm>> -> memref<1000x16xf32, #tpu.memory_space<hbm>>
      tpu.wait_indirect_dma semaphore(%arg7 : memref<!tpu.dma_semaphore, #tpu.memory_space<semaphore_mem>>) src(%dma_wait3A_32 : memref<1000x16xf32, #tpu.memory_space<hbm>>) dst(%dma_wait3A_28 : memref<40x16xf32, #tpu.memory_space<vmem>>)
      %scan3A_33 = arith.constant 0 : i32
      scf.yield %scan3A_33 : i32
    }
    %scan3A_8 = arith.constant 40 : i32
    %dma_start3A = arith.constant 0 : i32
    %dma_start3A_9 = tpu.memref_slice %arg4[%mul3A_2, %dma_start3A] : memref<51200x16xf32, #tpu.memory_space<hbm>> -> memref<1600x16xf32, #tpu.memory_space<hbm>>
    %dma_start3A_10 = arith.constant 0 : i32
    %dma_start3A_11 = tpu.memref_slice %arg4[%mul3A_2, %dma_start3A_10] : memref<51200x16xf32, #tpu.memory_space<hbm>> -> memref<1600x16xf32, #tpu.memory_space<hbm>>
    tpu.enqueue_dma source(%arg6 : memref<1600x16xf32, #tpu.memory_space<vmem>>) target(%dma_start3A_11 : memref<1600x16xf32, #tpu.memory_space<hbm>>) target_semaphore(%arg8 : memref<!tpu.dma_semaphore, #tpu.memory_space<semaphore_mem>>)
    %dma_wait3A = arith.constant 0 : i32
    %dma_wait3A_12 = tpu.memref_slice %arg4[%mul3A_2, %dma_wait3A] : memref<51200x16xf32, #tpu.memory_space<hbm>> -> memref<1600x16xf32, #tpu.memory_space<hbm>>
    %dma_wait3A_13 = arith.constant 0 : i32
    %dma_wait3A_14 = tpu.memref_slice %arg4[%mul3A_2, %dma_wait3A_13] : memref<51200x16xf32, #tpu.memory_space<hbm>> -> memref<1600x16xf32, #tpu.memory_space<hbm>>
    tpu.wait_dma2 semaphore(%arg8 : memref<!tpu.dma_semaphore, #tpu.memory_space<semaphore_mem>>) src(%arg6 : memref<1600x16xf32, #tpu.memory_space<vmem>>) dst(%dma_wait3A_14 : memref<1600x16xf32, #tpu.memory_space<hbm>>)
    return
  }
}

module attributes {stable_mosaic.version = 14 : i64} {
  func.func @_linear_body(%arg0: i32, %arg1: i32, %arg2: memref<16x1024xf32, #tpu.memory_space<vmem>>, %arg3: memref<1000x4xf32, #tpu.memory_space<vmem>>, %arg4: memref<1000x1xf32, #tpu.memory_space<vmem>>, %arg5: memref<1x1000x1024xf32, #tpu.memory_space<vmem>>) attributes {dimension_semantics = [#tpu.dimension_semantics<arbitrary>, #tpu.dimension_semantics<arbitrary>], iteration_bounds = array<i64: 50, 1>, scalar_prefetch = 0 : i64, scratch_operands = 0 : i64, tpu.core_type = #tpu.core_type<tc>, window_params = [{transform_indices = @transform_0, window_bounds = array<i64: 16, 1024>}, {pipeline_mode = #tpu.pipeline_mode<synchronous>, transform_indices = @transform_1, window_bounds = array<i64: 1000, 4>}, {pipeline_mode = #tpu.pipeline_mode<synchronous>, transform_indices = @transform_2, window_bounds = array<i64: 1000, 1>}, {transform_indices = @transform_3, window_bounds = array<i64: 1, 1000, 1024>}]} {
    %get3A = arith.constant 0 : index
    %get3A_0 = arith.constant 0 : index
    %get3A_1 = vector.load %arg2[%get3A, %get3A_0] : memref<16x1024xf32, #tpu.memory_space<vmem>>, vector<16x1024xf32>
    %get3A_2 = arith.constant 0 : index
    %get3A_3 = arith.constant 0 : index
    %get3A_4 = vector.load %arg4[%get3A_2, %get3A_3] : memref<1000x1xf32, #tpu.memory_space<vmem>>, vector<1000x1xf32>
    %broadcast_in_dim3A = vector.shape_cast %get3A_4 : vector<1000x1xf32> to vector<1000x1xf32>
    %broadcast_in_dim3A_5 = vector.broadcast %broadcast_in_dim3A : vector<1000x1xf32> to vector<1000x1024xf32>
    %get3A_6 = arith.constant 0 : index
    %get3A_7 = arith.constant 0 : index
    %get3A_8 = vector.load %arg3[%get3A_6, %get3A_7] : memref<1000x4xf32, #tpu.memory_space<vmem>>, vector<1000x1xf32>
    %slice3A = vector.extract_strided_slice %get3A_1 {offsets = [0, 0], sizes = [1, 1024], strides = [1, 1]} : vector<16x1024xf32> to vector<1x1024xf32>
    %squeeze3A = vector.shape_cast %slice3A : vector<1x1024xf32> to vector<1024xf32>
    %broadcast_in_dim3A_9 = vector.shape_cast %squeeze3A : vector<1024xf32> to vector<1x1024xf32>
    %mul3A = vector.broadcast %get3A_8 : vector<1000x1xf32> to vector<1000x1024xf32>
    %mul3A_10 = vector.broadcast %broadcast_in_dim3A_9 : vector<1x1024xf32> to vector<1000x1024xf32>
    %mul3A_11 = arith.mulf %mul3A, %mul3A_10 : vector<1000x1024xf32>
    %add3A = arith.addf %broadcast_in_dim3A_5, %mul3A_11 : vector<1000x1024xf32>
    %get3A_12 = arith.constant 0 : index
    %get3A_13 = arith.constant 1 : index
    %get3A_14 = vector.load %arg3[%get3A_12, %get3A_13] : memref<1000x4xf32, #tpu.memory_space<vmem>>, vector<1000x1xf32>
    %slice3A_15 = vector.extract_strided_slice %get3A_1 {offsets = [1, 0], sizes = [1, 1024], strides = [1, 1]} : vector<16x1024xf32> to vector<1x1024xf32>
    %squeeze3A_16 = vector.shape_cast %slice3A_15 : vector<1x1024xf32> to vector<1024xf32>
    %broadcast_in_dim3A_17 = vector.shape_cast %squeeze3A_16 : vector<1024xf32> to vector<1x1024xf32>
    %mul3A_18 = vector.broadcast %get3A_14 : vector<1000x1xf32> to vector<1000x1024xf32>
    %mul3A_19 = vector.broadcast %broadcast_in_dim3A_17 : vector<1x1024xf32> to vector<1000x1024xf32>
    %mul3A_20 = arith.mulf %mul3A_18, %mul3A_19 : vector<1000x1024xf32>
    %add3A_21 = arith.addf %add3A, %mul3A_20 : vector<1000x1024xf32>
    %get3A_22 = arith.constant 0 : index
    %get3A_23 = arith.constant 2 : index
    %get3A_24 = vector.load %arg3[%get3A_22, %get3A_23] : memref<1000x4xf32, #tpu.memory_space<vmem>>, vector<1000x1xf32>
    %slice3A_25 = vector.extract_strided_slice %get3A_1 {offsets = [2, 0], sizes = [1, 1024], strides = [1, 1]} : vector<16x1024xf32> to vector<1x1024xf32>
    %squeeze3A_26 = vector.shape_cast %slice3A_25 : vector<1x1024xf32> to vector<1024xf32>
    %broadcast_in_dim3A_27 = vector.shape_cast %squeeze3A_26 : vector<1024xf32> to vector<1x1024xf32>
    %mul3A_28 = vector.broadcast %get3A_24 : vector<1000x1xf32> to vector<1000x1024xf32>
    %mul3A_29 = vector.broadcast %broadcast_in_dim3A_27 : vector<1x1024xf32> to vector<1000x1024xf32>
    %mul3A_30 = arith.mulf %mul3A_28, %mul3A_29 : vector<1000x1024xf32>
    %add3A_31 = arith.addf %add3A_21, %mul3A_30 : vector<1000x1024xf32>
    %get3A_32 = arith.constant 0 : index
    %get3A_33 = arith.constant 3 : index
    %get3A_34 = vector.load %arg3[%get3A_32, %get3A_33] : memref<1000x4xf32, #tpu.memory_space<vmem>>, vector<1000x1xf32>
    %slice3A_35 = vector.extract_strided_slice %get3A_1 {offsets = [3, 0], sizes = [1, 1024], strides = [1, 1]} : vector<16x1024xf32> to vector<1x1024xf32>
    %squeeze3A_36 = vector.shape_cast %slice3A_35 : vector<1x1024xf32> to vector<1024xf32>
    %broadcast_in_dim3A_37 = vector.shape_cast %squeeze3A_36 : vector<1024xf32> to vector<1x1024xf32>
    %mul3A_38 = vector.broadcast %get3A_34 : vector<1000x1xf32> to vector<1000x1024xf32>
    %mul3A_39 = vector.broadcast %broadcast_in_dim3A_37 : vector<1x1024xf32> to vector<1000x1024xf32>
    %mul3A_40 = arith.mulf %mul3A_38, %mul3A_39 : vector<1000x1024xf32>
    %add3A_41 = arith.addf %add3A_31, %mul3A_40 : vector<1000x1024xf32>
    %swap3A = arith.constant 0 : index
    %swap3A_42 = arith.constant 0 : index
    %swap3A_43 = arith.constant 0 : index
    %swap3A_44 = vector.load %arg5[%swap3A, %swap3A_42, %swap3A_43] : memref<1x1000x1024xf32, #tpu.memory_space<vmem>>, vector<1x1000x1024xf32>
    %swap3A_45 = vector.shape_cast %swap3A_44 : vector<1x1000x1024xf32> to vector<1000x1024xf32>
    %swap3A_46 = vector.shape_cast %add3A_41 : vector<1000x1024xf32> to vector<1x1000x1024xf32>
    tpu.vector_store %arg5[%swap3A, %swap3A_42, %swap3A_43], %swap3A_46 {strides = array<i32>} : memref<1x1000x1024xf32, #tpu.memory_space<vmem>>, vector<1x1000x1024xf32>,
    return
  }
  func.func @transform_0(%arg0: i32, %arg1: i32) -> (i32, i32) {
    %mul3A = arith.constant 1 : i32
    %mul3A_0 = arith.muli %arg0, %mul3A : i32
    %add3A = arith.addi %mul3A_0, %arg1 : i32
    %c0_i32 = arith.constant 0 : i32
    %c0_i32_1 = arith.constant 0 : i32
    return %c0_i32, %add3A : i32, i32
  }
  func.func @transform_1(%arg0: i32, %arg1: i32) -> (i32, i32) {
    %c0_i32 = arith.constant 0 : i32
    %c0_i32_0 = arith.constant 0 : i32
    %c0_i32_1 = arith.constant 0 : i32
    return %c0_i32, %c0_i32_0 : i32, i32
  }
  func.func @transform_2(%arg0: i32, %arg1: i32) -> (i32, i32) {
    %c0_i32 = arith.constant 0 : i32
    %c0_i32_0 = arith.constant 0 : i32
    %c0_i32_1 = arith.constant 0 : i32
    return %c0_i32, %c0_i32_0 : i32, i32
  }
  func.func @transform_3(%arg0: i32, %arg1: i32) -> (i32, i32, i32) {
    %c0_i32 = arith.constant 0 : i32
    %c0_i32_0 = arith.constant 0 : i32
    return %arg0, %c0_i32, %arg1 : i32, i32, i32
  }
}

</mosaic_0001>

<sc_bundles>
// kernel: kernel.4.cloned.1.call-start
scs
__scs_entry_jumppad:
0x0: {  	(pc) =	sbr.rel $0x88, $3  }
0x1: {  	(tag) =	ssettag $0x0;
	lr =	simm.s32 $0x1  }
0x2: {  	[smem:$0x3F9D] =	sst lr;
	_ =	strace $0xD0000000  }
0x3: {  	_ = 	snop  }
0x4: {  	_ = 	snop  }
0x5: {  	_ = 	snop  }
0x6: {  	_ = 	snop  }
0x7: {  	_ = 	snop  }
__scs_overlays_trampoline_lowered:
0x8: {  	[smem:$0x3FAC] =	sst s0  }
0x9: {  	[smem:$0x3FAD] =	sst s1  }
0xa: {  	[smem:$0x3FAE] =	sst s2  }
0xb: {  	[smem:$0x3FAF] =	sst s3  }
0xc: {  	[smem:$0x3FB0] =	sst s4  }
0xd: {  	[smem:$0x3FB1] =	sst s5  }
0xe: {  	[smem:$0x3FB2] =	sst s6  }
0xf: {  	[smem:$0x3FB3] =	sst s7  }
0x10: {  	[smem:$0x3FB4] =	sst s8  }
0x11: {  	[smem:$0x3FB5] =	sst s9;
	s0 =	simm.s32 @!p0 $0x0  }
0x12: {  	s1 =	sld [smem:$0x3F9B];
	s0 =	simm.s32 @p0 $0x1  }
0x13: {  	[smem:$0x3FB6] =	sst s0;
	s0 =	simm.s32 @!p1 $0x0  }
0x14: {  	s2 =	sld [smem:$0x3F9A];
	s0 =	simm.s32 @p1 $0x1  }
0x15: {  	[smem:$0x3FB7] =	sst s0;
	s0 =	simm.s32 @!p2 $0x0  }
0x16: {  	s3 =	sld [smem:$0x3FDB];
	s0 =	simm.s32 @p2 $0x1  }
0x17: {  	s4 =	simm.s32 $0x1BF5;
	[smem:$0x3FB9] =	sst s0  }
0x18: {  	s0 =	sld [smem:$0x3F9C];
	_ =	swait.ge [sflag:s4], $0x0  }
0x19: {  	s7 =	sld [smem:$0x3F9D]  }
0x1a: {  	s8 =	sadd.s32 $0xFFFFE003, lr  }
0x1b: {  	s9 =	sadd.s32 $0xFFFFFEF7, lr;
	s5 =	simm.s32 $0xFFFFFFFF;
	p2 =	slt.u32 s8, $0xFFFFF086  }
0x1c: {  	p1 =	slt.u32 s9, $0xF7A;
	s5 =	simm.s32 @!p2 $0x0  }
0x1d: {  	s5 =	simm.s32 @p1 $0x1;
	p0 =	seq.s32 s7, s2  }
0x1e: {  	s7 =	smul.u32 @!p0 $0xF7A, s2;
	p2 =	seq.s32 @!p0 s5, $0x0  }
0x1f: {  	s9 =	smul.u32 $0xF7A, s1;
	s8 =	simm.s32 @!p0 $0x1BF5;
	p2 =	por !p2, p0  }
0x20: {  	[sflag:s8] =	ssyncset.s32 @!p0 $0xFFFFF086;
	s6 =	sadd.s32 @!p0 s3, s7;
	s7 =	simm.s32 @!p0 $0x108  }
0x21: {  	s3 =	sadd.s32 s3, s9;
	s6 =	sadd.s32 @!p0 $0x88, s6;
	s7 =	simm.s32 @p2 $0x1082  }
0x22: {  	[simem:s7], [sflag:s8] =	dma.local @!p0 [hbm:s6], $0xF7A  }
0x23: {  	s9 =	sor.u32 $0xD0000000, s2;
	s6 =	simm.s32 $0x108;
	_ =	swait.ge @!p0 [sflag:s8], $0x0  }
0x24: {  	s3 =	sadd.s32 $0x88, s3;
	s6 =	simm.s32 @!p1 $0x1082;
	[sflag:s4] =	ssyncset.s32 $0xFFFFF086  }
0x25: {  	[simem:s6], [sflag:s4] =	dma.local [hbm:s3], $0xF7A  }
0x26: {  	[smem:$0x3F9D] =	sst s1;
	(tag) =	ssettag s2;
	_ =	strace s9  }
0x27: {  	s1 =	sld [smem:$0x3FAD]  }
0x28: {  	s2 =	sld [smem:$0x3FAE]  }
0x29: {  	s4 =	sld [smem:$0x3FB0]  }
0x2a: {  	p0 =	seq.s32 s5, $0x0;
	s5 =	sld [smem:$0x3FB1]  }
0x2b: {  	s6 =	sld [smem:$0x3FB2]  }
0x2c: {  	s7 =	sld [smem:$0x3FB3]  }
0x2d: {  	s3 =	simm.s32 $0x108;
	s8 =	sld [smem:$0x3FB4]  }
0x2e: {  	s3 =	simm.s32 @!p0 $0x1082;
	s9 =	sld [smem:$0x3FB5]  }
0x2f: {  	lr =	sadd.s32 s0, s3;
	s0 =	sld [smem:$0x3FAC]  }
0x30: {  	s3 =	sld [smem:$0x3FAF]  }
0x31: {  	[smem:$0x3FB8] =	sst s10  }
0x32: {  	s10 =	sld [smem:$0x3FB6];
	_ =	sdelay $0x3  }
0x33: {  	p0 =	seq.s32 s10, $0x1;
	s10 =	sld [smem:$0x3FB8];
	_ =	sdelay $0x3  }
0x34: {  	[smem:$0x3FB8] =	sst s10  }
0x35: {  	s10 =	sld [smem:$0x3FB7];
	_ =	sdelay $0x3  }
0x36: {  	p1 =	seq.s32 s10, $0x1;
	s10 =	sld [smem:$0x3FB8];
	_ =	sdelay $0x3  }
0x37: {  	[smem:$0x3FB8] =	sst s10  }
0x38: {  	s10 =	sld [smem:$0x3FB9]  }
0x39: {  	_ = 	snop;
	(pc) =	sbr.ind lr, $3  }
0x3a: {  	_ = 	snop  }
0x3b: {  	_ = 	snop  }
0x3c: {  	p2 =	seq.s32 s10, $0x1;
	s10 =	sld [smem:$0x3FB8]  }
0x3d: {  	_ =	shalt  }
0x3e: {  	_ =	shalt  }
0x3f: {  	_ =	shalt  }
0x40: {  	_ =	shalt  }
0x41: {  	_ =	shalt  }
0x42: {  	_ =	shalt  }
0x43: {  	_ =	shalt  }
0x44: {  	_ =	shalt  }
0x45: {  	_ =	shalt  }
0x46: {  	_ =	shalt  }
0x47: {  	_ =	shalt  }
0x48: {  	_ =	shalt  }
0x49: {  	_ =	shalt  }
0x4a: {  	_ =	shalt  }
0x4b: {  	_ =	shalt  }
0x4c: {  	_ =	shalt  }
0x4d: {  	_ =	shalt  }
0x4e: {  	_ =	shalt  }
0x4f: {  	_ =	shalt  }
0x50: {  	_ =	shalt  }
0x51: {  	_ =	shalt  }
0x52: {  	_ =	shalt  }
0x53: {  	_ =	shalt  }
0x54: {  	_ =	shalt  }
0x55: {  	_ =	shalt  }
0x56: {  	_ =	shalt  }
0x57: {  	_ =	shalt  }
0x58: {  	_ =	shalt  }
0x59: {  	_ =	shalt  }
0x5a: {  	_ =	shalt  }
0x5b: {  	_ =	shalt  }
0x5c: {  	_ =	shalt  }
0x5d: {  	_ =	shalt  }
0x5e: {  	_ =	shalt  }
0x5f: {  	_ =	shalt  }
0x60: {  	_ =	shalt  }
0x61: {  	_ =	shalt  }
0x62: {  	_ =	shalt  }
0x63: {  	_ =	shalt  }
0x64: {  	_ =	shalt  }
0x65: {  	_ =	shalt  }
0x66: {  	_ =	shalt  }
0x67: {  	_ =	shalt  }
0x68: {  	_ =	shalt  }
0x69: {  	_ =	shalt  }
0x6a: {  	_ =	shalt  }
0x6b: {  	_ =	shalt  }
0x6c: {  	_ =	shalt  }
0x6d: {  	_ =	shalt  }
0x6e: {  	_ =	shalt  }
0x6f: {  	_ =	shalt  }
0x70: {  	_ =	shalt  }
0x71: {  	_ =	shalt  }
0x72: {  	_ =	shalt  }
0x73: {  	_ =	shalt  }
0x74: {  	_ =	shalt  }
0x75: {  	_ =	shalt  }
0x76: {  	_ =	shalt  }
0x77: {  	_ =	shalt  }
0x78: {  	_ =	shalt  }
0x79: {  	_ =	shalt  }
0x7a: {  	_ =	shalt  }
0x7b: {  	_ =	shalt  }
0x7c: {  	_ =	shalt  }
0x7d: {  	_ =	shalt  }
0x7e: {  	_ =	shalt  }
0x7f: {  	_ =	shalt  }
0x80: {  	_ =	shalt  }
0x81: {  	_ =	shalt  }
0x82: {  	_ =	shalt  }
0x83: {  	_ =	shalt  }
0x84: {  	_ =	shalt  }
0x85: {  	_ =	shalt  }
0x86: {  	_ =	shalt  }
0x87: {  	_ =	shalt  }
.Lfunc_end0:
.L_simem_size_0:
called_computation_lowered:
.L_overlay_start_0:
0x88: {  	s2 =	sld [smem:$0x3FD9]  }
0x89: {  	s3 =	sld [smem:$0x3FFE];
	_ =	sdelay $0x1  }
0x8a: {  	s1 =	srdreg.scid  }
0x8b: {  	s0 =	sand.u32 $0x1, s1  }
0x8c: {  	s17 =	sshll.u32 s0, $0xA;
	s2 =	sadd.s32 s3, s2  }
0x8d: {  	s2 =	sadd.s32 s2, s17  }
0x8e: {  	[smem:$0x3FC4] =	sst s2  }
0x8f: {  	_ = 	snop  }
0x90: {  	s2 =	sld [smem:$0x3FD0];
	(tm) =	ssettm $0x1  }
0x91: {  	s18 =	sld [smem:$0x3FFB];
	_ =	sdelay $0x3  }
0x92: {  	_ =	strace s18  }
0x93: {  	s3 =	sld [smem:$0x3FFC];
	_ =	sdelay $0x3  }
0x94: {  	_ =	strace s3  }
0x95: {  	s3 =	sld [smem:$0x3FFD];
	_ =	sdelay $0x3  }
0x96: {  	_ =	strace s3  }
0x97: {  	_ =	strace $0x8FFFFFFF  }
0x98: {  	s19 =	sld [smem:$0x3FDB];
	_ =	sdelay $0x1  }
0x99: {  	s4 =	simm.s32 $_scs_section_size  }
0x9a: {  	s5 =	simm.s32 $_size__tile_overlayer_lowered;
	s6 =	simm.s32 $_tile_overlayer_lowered  }
0x9b: {  	s22 =	simm.s32 $0x1BFF;
	s21 =	sshll.u32 s6, $0x1;
	s3 =	sadd.s32 s4, s19  }
0x9c: {  	s7 =	simm.s32 $0x0;
	s20 =	sshll.u32 s5, $0x1;
	s5 =	sadd.s32 s21, s3  }
0x9d: {  	[timem:s7], [sflag:s22] =	dma.local [hbm:s5], s20  }
0x9e: {  	_ =	swait.ge [sflag:s22], s20  }
0x9f: {  	s4 =	ssub.s32 $0x0, s20;
	[sflag:s22] =	ssyncset.done $0x0  }
0xa0: {  	[sflag:s22] =	ssyncadd.s32 s4;
	_ =	sdelay $0x1  }
0xa1: {  	s23 =	simm.s32 $0x1B8B  }
0xa2: {  	_ =	swait.ge [sflag:s23], $0x1  }
0xa3: {  	[sflag:s23] =	ssyncset.done $0x0  }
0xa4: {  	s25 =	simm.s32 $0x1B8E;
	s24 =	sld [smem:$0x3FFE];
	[sflag:s23] =	ssyncadd.s32 $0xFFFFFFFF  }
0xa5: {  	s26 =	simm.s32 $execute0_lowered;
	[smem:$0x3FD2] =	sst s25  }
0xa6: {  	s5 =	sshll.u32 s26, $0x1;
	_ =	strace $0x80000046;
	[dreg:$0x1] =	wrdreg $0xFFFFFFFF  }
0xa7: {  	s28 =	simm.s32 $_size_execute0_lowered;
	s3 =	sadd.s32 s3, s5;
	[dreg:$0x0] =	wrdreg $0x0  }
0xa8: {  	s5 =	sshll.u32 s28, $0x1;
	[dreg:$0x2] =	wrdreg s3  }
0xa9: {  	[dreg:$0x3] =	wrdreg s5  }
0xaa: {  	[dreg:$0x4] =	wrdreg $0xC0  }
0xab: {  	_ =	task [dreg:s7], $0x5FFFF  }
0xac: {  	[dreg:$0x1] =	wrdreg $0xFFFFFFFF  }
0xad: {  	[dreg:$0x0] =	wrdreg $0x60  }
0xae: {  	[dreg:$0x2] =	wrdreg s24  }
0xaf: {  	[dreg:$0x3] =	wrdreg s2  }
0xb0: {  	[dreg:$0x4] =	wrdreg $0x9  }
0xb1: {  	_ =	task.clear_ibuf [dreg:s7], $0x5FFFF;
	_ =	strace $0x90000046  }
0xb2: {  	s29 =	simm.s32 $0x9;
	_ =	strace $0x80000048  }
0xb3: {  	_ =	swait.ge [sflag:s29], $0x1  }
0xb4: {  	[sflag:s29] =	ssyncadd.s32 $0xFFFFFFFF  }
0xb5: {  	_ =	strace $0x90000048  }
0xb6: {  	_ =	sfence  }
0xb7: {  	s30 =	sld [smem:$0x0];
	_ =	sdelay $0x2  }
0xb8: {  	s31 =	sshll.u32 s1, $0xD;
	s1 =	sshrl.u32 s1, $0x2  }
0xb9: {  	s3 =	sand.u32 $0x4000, s31;
	s1 =	sadd.s32 s1, s30  }
0xba: {  	s0 =	sor.u32 s3, s0;
	s1 =	sshll.u32 s1, $0x11  }
0xbb: {  	s0 =	sor.u32 s1, s0  }
0xbc: {  	s0 =	sadd.s32 $0x8F2B, s0  }
0xbd: {  	[sflag:s0] =	ssyncadd.remote.s32 $0x1  }
0xbe: {  	_ =	sfence.sel $0xFFFF  }
0xbf: {  	[dreg:$0x0] =	wrdreg $0xFFFFFFFF;
	(pc) =	sbr.abs _section_cstart, $3  }
0xc0: {  	[dreg:$0x1] =	wrdreg $0xFFFFFFFF  }
0xc1: {  	_ =	task.clear_ibuf [dreg:s7], $0x2FFFF;
	_ =	strace $0x9FFFFFFF  }
0xc2: {  	(tm) =	ssettm $0x7FFFFFFF  }
0xc3: {  	_ =	shalt  }
tec
execute0_lowered:
.L_overlay_start_1:
0x0: {  	(tag) =	ssettag $0x1  }
0x1: {  	s4 =	rddreg [dreg:$0x0]  }
0x2: {  	s1 =	srdreg.scid;
	s0 =	stileid.u32  }
0x3: {  	s5 =	rddreg [dreg:$0x1];
	s2 =	simm.s32 $0x0;
	s10 =	simm.s32 $0x640  }
0x4: {  	s11 =	simm.s32 $0x2;
	s3 =	sand.u32 $0x1, s1;
	s6 =	sshll.u32 s0, $0x1  }
0x5: {  	s12 =	simm.s32 $0x0;
	s1 =	rddreg [dreg:$0x2];
	s6 =	sor.u32 s3, s6  }
0x6: {  	[smem:$0x7FF] =	sst s2;
	s8 =	ssub.s32 $0x2, s3;
	s7 =	smul.u32 $0xC8, s6  }
0x7: {  	_ =	strace $0x80000047;
	s9 =	sshrl.u32 s8, $0x1;
	s6 =	smul.u32 $0xC80, s6  }
0x8: {  	s3 =	sadd.s32 $0x1E00, s4;
	s31 =	ssub.s32 s8, s9;
	s8 =	simm.s32 $0x28  }
0x9: {  	s9 =	simm.s32 $0x1;
	s4 =	sadd.s32 s7, s4;
	s5 =	sadd.s32 s5, s6  }
0xa: {  	s6 =	smax.u32 s31, $0x1;
	s7 =	simm.s32 $0x3;
	s4 =	sadd.s32 $0x400, s4  }
.LBB2_1:
0xb: {  	[tilespmem:s2], [sflag:$0x3] =	stream.linear.gather [hbm4b:s4+s2], $0x640, $0x38;
	[tilespmem:$0x6A40] =	vst v63  }
0xc: {  	_ =	swait.ge [sflag:s7], $0x640  }
0xd: {  	[sflag:s7] =	ssyncset.done $0x0  }
0xe: {  	s13 =	simm.s32 $0x0;
	[sflag:s7] =	ssyncadd.s32 $0xFFFFF9C0  }
0xf: {  	[tilespmem:s10], [sflag:$0x1] =	stream.indirect.gather [hbm4b:s3+s8], $0x10, s13, s8, $0xb8;
	[tilespmem:$0x6A40] =	vst v63  }
0x10: {  	_ =	swait.ge [sflag:s9], $0x280  }
0x11: {  	s14 =	simm.s32 $0x640;
	s13 =	simm.s32 $0xA0;
	[sflag:s9] =	ssyncset.done $0x0  }
.LBB2_2:
0x12: {  	s15 =	sshra.s32 s13, $0x2  }
0x13: {  	[sflag:s9] =	ssyncadd.s32 $0xFFFFFD80;
	s14 =	sadd.s32 $0x280, s14;
	p0 =	sne.s32 s13, $0x1860  }
0x14: {  	[tilespmem:s14], [sflag:$0x1] =	stream.indirect.gather [hbm4b:s3+s8], $0x10, s15, s8, $0xb8;
	[tilespmem:$0x6A40] =	vst v63  }
.Ltmp0:
0x15: {  	_ = 	snop;
	(pc) =	sbr.rel @p0 .LBB2_2-.Ltmp0, $4  }
0x16: {  	_ = 	snop  }
0x17: {  	s13 =	sadd.s32 $0xA0, s13  }
0x18: {  	_ =	swait.ge [sflag:s9], $0x280  }
0x19: {  	[sflag:s9] =	ssyncset.done $0x0  }
0x1a: {  	s12 =	sadd.s32 $0x1, s12  }
0x1b: {  	p0 =	sne.s32 s12, s6  }
.Ltmp1:
0x1c: {  	[sflag:s9] =	ssyncadd.s32 $0xFFFFFD80;
	(pc) =	sbr.rel @p0 .LBB2_1-.Ltmp1, $4  }
0x1d: {  	[hbm4b:s5+s2] =	stream.linear.scatter [tilespmem:s10], [sflag:$0x2], $0x6400, $0x38;
	[tilespmem:$0x6A40] =	vst v63  }
0x1e: {  	_ =	swait.ge [sflag:s11], $0x6400  }
0x1f: {  	[sflag:s11] =	ssyncset.done $0x0  }
0x20: {  	[sflag:s11] =	ssyncadd.s32 $0xFFFF9C00  }
0x21: {  	_ =	sfence.sel $0x180000  }
0x22: {  	[bflag:$0x0] =	sbarrier.arrive $0xFFFF  }
0x23: {  	p0 =	sne.s32 s0, $0x0;
	_ =	strace $0x90000047  }
0x24: {  	s0 =	sadd.s32 @!p0 $0x100000, s1;
	[bflag:$0x2] =	sbarrier.arrive $0xFFFF  }
0x25: {  	[sflag:s0] =	ssyncadd.tile.s32 @!p0 $0x1;
	_ =	shalt  }
.Lfunc_end2:
_tile_overlayer_lowered:
.L_overlay_start_2:
0x26: {  	(tag) =	ssettag $0x2  }
0x27: {  	s0 =	rddreg [dreg:$0x0];
	s2 =	stileid.u32  }
0x28: {  	s1 =	rddreg [dreg:$0x1];
	p0 =	sne.s32 s2, $0x0  }
0x29: {  	s3 =	rddreg [dreg:$0x2];
	[bflag:$0x3] =	sbarrier.arrive $0xFFFF;
	s2 =	simm.s32 @!p0 $0x1C03  }
0x2a: {  	[timem:s3], [sflag:s2] =	dma.local @!p0 [hbm:s0], s1  }
0x2b: {  	s0 =	simm.s32 @!p0 $0x3  }
0x2c: {  	_ =	swait.ge @!p0 [sflag:s0], s1  }
0x2d: {  	s1 =	ssub.s32 @!p0 $0x0, s1;
	[sflag:s0] =	ssyncset.done @!p0 $0x0  }
0x2e: {  	[sflag:s0] =	ssyncadd.s32 @!p0 s1  }
0x2f: {  	[bflag:$0x3] =	sbarrier.arrive $0xFFFF  }
0x30: {  	_ =	shalt  }

</sc_bundles>
